<compile_context>
chip_gen: v7x
topology: tpu7x:2x2x1
jax: 0.10.2.dev20260603
libtpu: 0.0.44.dev20260713+nightly
codegen_flags: <defaults>
</compile_context>

<pallas_src>
import functools

import jax
import jax.numpy as jnp
from jax import lax
from jax.experimental import pallas as pl
from jax.experimental.pallas import tpu as pltpu
from jax.experimental.pallas import tpu_sc as plsc

_N = 100
_D = 50
_B = 16384
_NS = 16
_L = 16
_BPW = _B // _NS
_NPAD = 112


def _sc_body(idx_hbm, out_hbm, idx_v, cnt_v):
    sid = lax.axis_index("s")
    pltpu.sync_copy(idx_hbm.at[pl.ds(sid * _BPW, _BPW)], idx_v)

    zero = jnp.zeros((_L,), jnp.int32)
    for g in range(_NPAD // _L):
        cnt_v[pl.ds(g * _L, _L)] = zero

    ones = zero + 1
    for i in range(_BPW // _L):
        xi = idx_v[pl.ds(i * _L, _L)]
        plsc.addupdate_scatter(cnt_v, [xi], ones)

    pltpu.sync_copy(cnt_v, out_hbm.at[sid])


_sc_counts = functools.partial(
    pl.kernel,
    mesh=plsc.VectorSubcoreMesh(
        core_axis_name="c", subcore_axis_name="s", num_cores=1),
    out_type=jax.ShapeDtypeStruct((_NS, _NPAD), jnp.int32),
    compiler_params=pltpu.CompilerParams(needs_layout_passes=False),
    scratch_types=[
        pltpu.VMEM((_BPW,), jnp.int32),
        pltpu.VMEM((_NPAD,), jnp.int32),
    ],
)(_sc_body)


def _reduce_body(c_ref, tab_ref, o_ref):
    counts = jnp.sum(c_ref[...], axis=0)[:_N].astype(jnp.float32)
    tab = tab_ref[...]
    norms = jnp.sqrt(jnp.sum(tab * tab, axis=1))
    o_ref[...] = jnp.sum(counts * norms).reshape(1, 1) * (1.0 / _B)


def kernel(x, entity_embeddings, relationship_embeddings):
    del relationship_embeddings
    idx = x[:, 1].astype(jnp.int32)
    counts = _sc_counts(idx)
    loss = pl.pallas_call(
        _reduce_body,
        out_shape=jax.ShapeDtypeStruct((1, 1), jnp.float32),
    )(counts, entity_embeddings)
    return loss[0, 0]

# --- scband reference (transcript-rebuilt; emitter-appended) ---
"""Pipeline reference for scband-trans-e-65833258713815 (READ-ONLY COPY).

The authoritative reference and input builder live on the scoring server;
editing this copy changes nothing except your own understanding.
"""

import jax, jax.numpy as jnp
import numpy as np

N = 100
M = 50
D = 50
B = 16384


def setup_inputs(seed: int = 0) -> dict:
    key = jax.random.key(seed)
    k1, k2, k3 = jax.random.split(key, 3)
    # indices: column 0 and 1 index entities (< N=100), column 2 indexes relations (< M=50).
    # Use fill_max=50 so all columns are in-range for both tables.
    x = jax.random.randint(k1, (B, 3), 0, 50)
    entity_embeddings = jax.random.normal(k2, (N, D), dtype=jnp.float32)
    relationship_embeddings = jax.random.normal(k3, (M, D), dtype=jnp.float32)
    return {
        "x": x,
        "entity_embeddings": entity_embeddings,
        "relationship_embeddings": relationship_embeddings,
    }


def reference(x, entity_embeddings, relationship_embeddings):
    # Faithful translation of TransE.forward
    e1 = jnp.take(entity_embeddings, x[:, 0], axis=0)
    e2 = jnp.take(entity_embeddings, x[:, 1], axis=0)
    r = jnp.take(relationship_embeddings, x[:, 2], axis=0)
    loss = jnp.mean(jnp.linalg.norm(e2, axis=1))
    intermediate_loss = loss
    e2_pred = e1 + r  # computed but unused, as in the original module
    return loss

if __name__ == "__main__":
    import jax
    _d = setup_inputs()
    print(jax.jit(kernel)(*tuple(_d.values())))

</pallas_src>

<mosaic_0001>
#map = affine_map<(d0, d1) -> (0)>
#map1 = affine_map<(d0, d1) -> (0, 0)>
module attributes {stable_mosaic.version = 14 : i64} {
  func.func @_sc_body(%arg0: i32, %arg1: i32, %arg2: memref<16384xi32, #tpu.memory_space<hbm>>, %arg3: memref<16x112xi32, #tpu.memory_space<hbm>>, %arg4: memref<1024xi32, #tpu.memory_space<vmem>>, %arg5: memref<112xi32, #tpu.memory_space<vmem>>) attributes {dimension_semantics = [#tpu.dimension_semantics<core_parallel>, #tpu.dimension_semantics<subcore_parallel>], iteration_bounds = array<i64: 1, 16>, scalar_prefetch = 0 : i64, scratch_operands = 2 : i64, tpu.core_type = #tpu.core_type<sc_vector_subcore>, window_params = [{transform_indices = #map}, {transform_indices = #map1}]} {
    %mul3A = arith.constant 1024 : i32
    %mul3A_0 = arith.muli %arg1, %mul3A : i32
    "tpu.region"() ({
      %run_scoped3A = tpu.sem_alloc : memref<!tpu.dma_semaphore, #tpu.memory_space<semaphore_mem>>
      %dma_start3A = tpu.memref_slice %arg2[%mul3A_0] : memref<16384xi32, #tpu.memory_space<hbm>> -> memref<1024xi32, #tpu.memory_space<hbm>>
      %dma_start3A_144 = tpu.memref_slice %arg2[%mul3A_0] : memref<16384xi32, #tpu.memory_space<hbm>> -> memref<1024xi32, #tpu.memory_space<hbm>>
      tpu.enqueue_dma source(%dma_start3A_144 : memref<1024xi32, #tpu.memory_space<hbm>>) target(%arg4 : memref<1024xi32, #tpu.memory_space<vmem>>) target_semaphore(%run_scoped3A : memref<!tpu.dma_semaphore, #tpu.memory_space<semaphore_mem>>)
      %dma_wait3A = tpu.memref_slice %arg2[%mul3A_0] : memref<16384xi32, #tpu.memory_space<hbm>> -> memref<1024xi32, #tpu.memory_space<hbm>>
      %dma_wait3A_145 = tpu.memref_slice %arg2[%mul3A_0] : memref<16384xi32, #tpu.memory_space<hbm>> -> memref<1024xi32, #tpu.memory_space<hbm>>
      tpu.wait_dma2 semaphore(%run_scoped3A : memref<!tpu.dma_semaphore, #tpu.memory_space<semaphore_mem>>) src(%dma_wait3A_145 : memref<1024xi32, #tpu.memory_space<hbm>>) dst(%arg4 : memref<1024xi32, #tpu.memory_space<vmem>>)
      tpu.yield
    }) : () -> ()
    %broadcast_in_dim3A = arith.constant 0 : i32
    %broadcast_in_dim3A_1 = vector.broadcast %broadcast_in_dim3A : i32 to vector<16xi32>
    %swap3A = arith.constant 0 : index
    %swap3A_2 = tpu.vector_load %arg5[%swap3A] {strides = array<i32>} : memref<112xi32, #tpu.memory_space<vmem>>, vector<16xi32>,
    tpu.vector_store %arg5[%swap3A], %broadcast_in_dim3A_1 {strides = array<i32>} : memref<112xi32, #tpu.memory_space<vmem>>, vector<16xi32>,
    %swap3A_3 = arith.constant 16 : index
    %swap3A_4 = tpu.vector_load %arg5[%swap3A_3] {strides = array<i32>} : memref<112xi32, #tpu.memory_space<vmem>>, vector<16xi32>,
    tpu.vector_store %arg5[%swap3A_3], %broadcast_in_dim3A_1 {strides = array<i32>} : memref<112xi32, #tpu.memory_space<vmem>>, vector<16xi32>,
    %swap3A_5 = arith.constant 32 : index
    %swap3A_6 = tpu.vector_load %arg5[%swap3A_5] {strides = array<i32>} : memref<112xi32, #tpu.memory_space<vmem>>, vector<16xi32>,
    tpu.vector_store %arg5[%swap3A_5], %broadcast_in_dim3A_1 {strides = array<i32>} : memref<112xi32, #tpu.memory_space<vmem>>, vector<16xi32>,
    %swap3A_7 = arith.constant 48 : index
    %swap3A_8 = tpu.vector_load %arg5[%swap3A_7] {strides = array<i32>} : memref<112xi32, #tpu.memory_space<vmem>>, vector<16xi32>,
    tpu.vector_store %arg5[%swap3A_7], %broadcast_in_dim3A_1 {strides = array<i32>} : memref<112xi32, #tpu.memory_space<vmem>>, vector<16xi32>,
    %swap3A_9 = arith.constant 64 : index
    %swap3A_10 = tpu.vector_load %arg5[%swap3A_9] {strides = array<i32>} : memref<112xi32, #tpu.memory_space<vmem>>, vector<16xi32>,
    tpu.vector_store %arg5[%swap3A_9], %broadcast_in_dim3A_1 {strides = array<i32>} : memref<112xi32, #tpu.memory_space<vmem>>, vector<16xi32>,
    %swap3A_11 = arith.constant 80 : index
    %swap3A_12 = tpu.vector_load %arg5[%swap3A_11] {strides = array<i32>} : memref<112xi32, #tpu.memory_space<vmem>>, vector<16xi32>,
    tpu.vector_store %arg5[%swap3A_11], %broadcast_in_dim3A_1 {strides = array<i32>} : memref<112xi32, #tpu.memory_space<vmem>>, vector<16xi32>,
    %swap3A_13 = arith.constant 96 : index
    %swap3A_14 = tpu.vector_load %arg5[%swap3A_13] {strides = array<i32>} : memref<112xi32, #tpu.memory_space<vmem>>, vector<16xi32>,
    tpu.vector_store %arg5[%swap3A_13], %broadcast_in_dim3A_1 {strides = array<i32>} : memref<112xi32, #tpu.memory_space<vmem>>, vector<16xi32>,
    %add3A = arith.constant 1 : i32
    %add3A_15 = vector.broadcast %add3A : i32 to vector<16xi32>
    %add3A_16 = arith.addi %broadcast_in_dim3A_1, %add3A_15 : vector<16xi32>
    %get3A = arith.constant 0 : index
    %get3A_17 = tpu.vector_load %arg4[%get3A] {strides = array<i32>} : memref<1024xi32, #tpu.memory_space<vmem>>, vector<16xi32>,
    tpu.vector_store_idx %arg5[%get3A_17], %add3A_16 {add = true} : memref<112xi32, #tpu.memory_space<vmem>>[vector<16xi32>], vector<16xi32>,
    %get3A_18 = arith.constant 16 : index
    %get3A_19 = tpu.vector_load %arg4[%get3A_18] {strides = array<i32>} : memref<1024xi32, #tpu.memory_space<vmem>>, vector<16xi32>,
    tpu.vector_store_idx %arg5[%get3A_19], %add3A_16 {add = true} : memref<112xi32, #tpu.memory_space<vmem>>[vector<16xi32>], vector<16xi32>,
    %get3A_20 = arith.constant 32 : index
    %get3A_21 = tpu.vector_load %arg4[%get3A_20] {strides = array<i32>} : memref<1024xi32, #tpu.memory_space<vmem>>, vector<16xi32>,
    tpu.vector_store_idx %arg5[%get3A_21], %add3A_16 {add = true} : memref<112xi32, #tpu.memory_space<vmem>>[vector<16xi32>], vector<16xi32>,
    %get3A_22 = arith.constant 48 : index
    %get3A_23 = tpu.vector_load %arg4[%get3A_22] {strides = array<i32>} : memref<1024xi32, #tpu.memory_space<vmem>>, vector<16xi32>,
    tpu.vector_store_idx %arg5[%get3A_23], %add3A_16 {add = true} : memref<112xi32, #tpu.memory_space<vmem>>[vector<16xi32>], vector<16xi32>,
    %get3A_24 = arith.constant 64 : index
    %get3A_25 = tpu.vector_load %arg4[%get3A_24] {strides = array<i32>} : memref<1024xi32, #tpu.memory_space<vmem>>, vector<16xi32>,
    tpu.vector_store_idx %arg5[%get3A_25], %add3A_16 {add = true} : memref<112xi32, #tpu.memory_space<vmem>>[vector<16xi32>], vector<16xi32>,
    %get3A_26 = arith.constant 80 : index
    %get3A_27 = tpu.vector_load %arg4[%get3A_26] {strides = array<i32>} : memref<1024xi32, #tpu.memory_space<vmem>>, vector<16xi32>,
    tpu.vector_store_idx %arg5[%get3A_27], %add3A_16 {add = true} : memref<112xi32, #tpu.memory_space<vmem>>[vector<16xi32>], vector<16xi32>,
    %get3A_28 = arith.constant 96 : index
    %get3A_29 = tpu.vector_load %arg4[%get3A_28] {strides = array<i32>} : memref<1024xi32, #tpu.memory_space<vmem>>, vector<16xi32>,
    tpu.vector_store_idx %arg5[%get3A_29], %add3A_16 {add = true} : memref<112xi32, #tpu.memory_space<vmem>>[vector<16xi32>], vector<16xi32>,
    %get3A_30 = arith.constant 112 : index
    %get3A_31 = tpu.vector_load %arg4[%get3A_30] {strides = array<i32>} : memref<1024xi32, #tpu.memory_space<vmem>>, vector<16xi32>,
    tpu.vector_store_idx %arg5[%get3A_31], %add3A_16 {add = true} : memref<112xi32, #tpu.memory_space<vmem>>[vector<16xi32>], vector<16xi32>,
    %get3A_32 = arith.constant 128 : index
    %get3A_33 = tpu.vector_load %arg4[%get3A_32] {strides = array<i32>} : memref<1024xi32, #tpu.memory_space<vmem>>, vector<16xi32>,
    tpu.vector_store_idx %arg5[%get3A_33], %add3A_16 {add = true} : memref<112xi32, #tpu.memory_space<vmem>>[vector<16xi32>], vector<16xi32>,
    %get3A_34 = arith.constant 144 : index
    %get3A_35 = tpu.vector_load %arg4[%get3A_34] {strides = array<i32>} : memref<1024xi32, #tpu.memory_space<vmem>>, vector<16xi32>,
    tpu.vector_store_idx %arg5[%get3A_35], %add3A_16 {add = true} : memref<112xi32, #tpu.memory_space<vmem>>[vector<16xi32>], vector<16xi32>,
    %get3A_36 = arith.constant 160 : index
    %get3A_37 = tpu.vector_load %arg4[%get3A_36] {strides = array<i32>} : memref<1024xi32, #tpu.memory_space<vmem>>, vector<16xi32>,
    tpu.vector_store_idx %arg5[%get3A_37], %add3A_16 {add = true} : memref<112xi32, #tpu.memory_space<vmem>>[vector<16xi32>], vector<16xi32>,
    %get3A_38 = arith.constant 176 : index
    %get3A_39 = tpu.vector_load %arg4[%get3A_38] {strides = array<i32>} : memref<1024xi32, #tpu.memory_space<vmem>>, vector<16xi32>,
    tpu.vector_store_idx %arg5[%get3A_39], %add3A_16 {add = true} : memref<112xi32, #tpu.memory_space<vmem>>[vector<16xi32>], vector<16xi32>,
    %get3A_40 = arith.constant 192 : index
    %get3A_41 = tpu.vector_load %arg4[%get3A_40] {strides = array<i32>} : memref<1024xi32, #tpu.memory_space<vmem>>, vector<16xi32>,
    tpu.vector_store_idx %arg5[%get3A_41], %add3A_16 {add = true} : memref<112xi32, #tpu.memory_space<vmem>>[vector<16xi32>], vector<16xi32>,
    %get3A_42 = arith.constant 208 : index
    %get3A_43 = tpu.vector_load %arg4[%get3A_42] {strides = array<i32>} : memref<1024xi32, #tpu.memory_space<vmem>>, vector<16xi32>,
    tpu.vector_store_idx %arg5[%get3A_43], %add3A_16 {add = true} : memref<112xi32, #tpu.memory_space<vmem>>[vector<16xi32>], vector<16xi32>,
    %get3A_44 = arith.constant 224 : index
    %get3A_45 = tpu.vector_load %arg4[%get3A_44] {strides = array<i32>} : memref<1024xi32, #tpu.memory_space<vmem>>, vector<16xi32>,
    tpu.vector_store_idx %arg5[%get3A_45], %add3A_16 {add = true} : memref<112xi32, #tpu.memory_space<vmem>>[vector<16xi32>], vector<16xi32>,
    %get3A_46 = arith.constant 240 : index
    %get3A_47 = tpu.vector_load %arg4[%get3A_46] {strides = array<i32>} : memref<1024xi32, #tpu.memory_space<vmem>>, vector<16xi32>,
    tpu.vector_store_idx %arg5[%get3A_47], %add3A_16 {add = true} : memref<112xi32, #tpu.memory_space<vmem>>[vector<16xi32>], vector<16xi32>,
    %get3A_48 = arith.constant 256 : index
    %get3A_49 = tpu.vector_load %arg4[%get3A_48] {strides = array<i32>} : memref<1024xi32, #tpu.memory_space<vmem>>, vector<16xi32>,
    tpu.vector_store_idx %arg5[%get3A_49], %add3A_16 {add = true} : memref<112xi32, #tpu.memory_space<vmem>>[vector<16xi32>], vector<16xi32>,
    %get3A_50 = arith.constant 272 : index
    %get3A_51 = tpu.vector_load %arg4[%get3A_50] {strides = array<i32>} : memref<1024xi32, #tpu.memory_space<vmem>>, vector<16xi32>,
    tpu.vector_store_idx %arg5[%get3A_51], %add3A_16 {add = true} : memref<112xi32, #tpu.memory_space<vmem>>[vector<16xi32>], vector<16xi32>,
    %get3A_52 = arith.constant 288 : index
    %get3A_53 = tpu.vector_load %arg4[%get3A_52] {strides = array<i32>} : memref<1024xi32, #tpu.memory_space<vmem>>, vector<16xi32>,
    tpu.vector_store_idx %arg5[%get3A_53], %add3A_16 {add = true} : memref<112xi32, #tpu.memory_space<vmem>>[vector<16xi32>], vector<16xi32>,
    %get3A_54 = arith.constant 304 : index
    %get3A_55 = tpu.vector_load %arg4[%get3A_54] {strides = array<i32>} : memref<1024xi32, #tpu.memory_space<vmem>>, vector<16xi32>,
    tpu.vector_store_idx %arg5[%get3A_55], %add3A_16 {add = true} : memref<112xi32, #tpu.memory_space<vmem>>[vector<16xi32>], vector<16xi32>,
    %get3A_56 = arith.constant 320 : index
    %get3A_57 = tpu.vector_load %arg4[%get3A_56] {strides = array<i32>} : memref<1024xi32, #tpu.memory_space<vmem>>, vector<16xi32>,
    tpu.vector_store_idx %arg5[%get3A_57], %add3A_16 {add = true} : memref<112xi32, #tpu.memory_space<vmem>>[vector<16xi32>], vector<16xi32>,
    %get3A_58 = arith.constant 336 : index
    %get3A_59 = tpu.vector_load %arg4[%get3A_58] {strides = array<i32>} : memref<1024xi32, #tpu.memory_space<vmem>>, vector<16xi32>,
    tpu.vector_store_idx %arg5[%get3A_59], %add3A_16 {add = true} : memref<112xi32, #tpu.memory_space<vmem>>[vector<16xi32>], vector<16xi32>,
    %get3A_60 = arith.constant 352 : index
    %get3A_61 = tpu.vector_load %arg4[%get3A_60] {strides = array<i32>} : memref<1024xi32, #tpu.memory_space<vmem>>, vector<16xi32>,
    tpu.vector_store_idx %arg5[%get3A_61], %add3A_16 {add = true} : memref<112xi32, #tpu.memory_space<vmem>>[vector<16xi32>], vector<16xi32>,
    %get3A_62 = arith.constant 368 : index
    %get3A_63 = tpu.vector_load %arg4[%get3A_62] {strides = array<i32>} : memref<1024xi32, #tpu.memory_space<vmem>>, vector<16xi32>,
    tpu.vector_store_idx %arg5[%get3A_63], %add3A_16 {add = true} : memref<112xi32, #tpu.memory_space<vmem>>[vector<16xi32>], vector<16xi32>,
    %get3A_64 = arith.constant 384 : index
    %get3A_65 = tpu.vector_load %arg4[%get3A_64] {strides = array<i32>} : memref<1024xi32, #tpu.memory_space<vmem>>, vector<16xi32>,
    tpu.vector_store_idx %arg5[%get3A_65], %add3A_16 {add = true} : memref<112xi32, #tpu.memory_space<vmem>>[vector<16xi32>], vector<16xi32>,
    %get3A_66 = arith.constant 400 : index
    %get3A_67 = tpu.vector_load %arg4[%get3A_66] {strides = array<i32>} : memref<1024xi32, #tpu.memory_space<vmem>>, vector<16xi32>,
    tpu.vector_store_idx %arg5[%get3A_67], %add3A_16 {add = true} : memref<112xi32, #tpu.memory_space<vmem>>[vector<16xi32>], vector<16xi32>,
    %get3A_68 = arith.constant 416 : index
    %get3A_69 = tpu.vector_load %arg4[%get3A_68] {strides = array<i32>} : memref<1024xi32, #tpu.memory_space<vmem>>, vector<16xi32>,
    tpu.vector_store_idx %arg5[%get3A_69], %add3A_16 {add = true} : memref<112xi32, #tpu.memory_space<vmem>>[vector<16xi32>], vector<16xi32>,
    %get3A_70 = arith.constant 432 : index
    %get3A_71 = tpu.vector_load %arg4[%get3A_70] {strides = array<i32>} : memref<1024xi32, #tpu.memory_space<vmem>>, vector<16xi32>,
    tpu.vector_store_idx %arg5[%get3A_71], %add3A_16 {add = true} : memref<112xi32, #tpu.memory_space<vmem>>[vector<16xi32>], vector<16xi32>,
    %get3A_72 = arith.constant 448 : index
    %get3A_73 = tpu.vector_load %arg4[%get3A_72] {strides = array<i32>} : memref<1024xi32, #tpu.memory_space<vmem>>, vector<16xi32>,
    tpu.vector_store_idx %arg5[%get3A_73], %add3A_16 {add = true} : memref<112xi32, #tpu.memory_space<vmem>>[vector<16xi32>], vector<16xi32>,
    %get3A_74 = arith.constant 464 : index
    %get3A_75 = tpu.vector_load %arg4[%get3A_74] {strides = array<i32>} : memref<1024xi32, #tpu.memory_space<vmem>>, vector<16xi32>,
    tpu.vector_store_idx %arg5[%get3A_75], %add3A_16 {add = true} : memref<112xi32, #tpu.memory_space<vmem>>[vector<16xi32>], vector<16xi32>,
    %get3A_76 = arith.constant 480 : index
    %get3A_77 = tpu.vector_load %arg4[%get3A_76] {strides = array<i32>} : memref<1024xi32, #tpu.memory_space<vmem>>, vector<16xi32>,
    tpu.vector_store_idx %arg5[%get3A_77], %add3A_16 {add = true} : memref<112xi32, #tpu.memory_space<vmem>>[vector<16xi32>], vector<16xi32>,
    %get3A_78 = arith.constant 496 : index
    %get3A_79 = tpu.vector_load %arg4[%get3A_78] {strides = array<i32>} : memref<1024xi32, #tpu.memory_space<vmem>>, vector<16xi32>,
    tpu.vector_store_idx %arg5[%get3A_79], %add3A_16 {add = true} : memref<112xi32, #tpu.memory_space<vmem>>[vector<16xi32>], vector<16xi32>,
    %get3A_80 = arith.constant 512 : index
    %get3A_81 = tpu.vector_load %arg4[%get3A_80] {strides = array<i32>} : memref<1024xi32, #tpu.memory_space<vmem>>, vector<16xi32>,
    tpu.vector_store_idx %arg5[%get3A_81], %add3A_16 {add = true} : memref<112xi32, #tpu.memory_space<vmem>>[vector<16xi32>], vector<16xi32>,
    %get3A_82 = arith.constant 528 : index
    %get3A_83 = tpu.vector_load %arg4[%get3A_82] {strides = array<i32>} : memref<1024xi32, #tpu.memory_space<vmem>>, vector<16xi32>,
    tpu.vector_store_idx %arg5[%get3A_83], %add3A_16 {add = true} : memref<112xi32, #tpu.memory_space<vmem>>[vector<16xi32>], vector<16xi32>,
    %get3A_84 = arith.constant 544 : index
    %get3A_85 = tpu.vector_load %arg4[%get3A_84] {strides = array<i32>} : memref<1024xi32, #tpu.memory_space<vmem>>, vector<16xi32>,
    tpu.vector_store_idx %arg5[%get3A_85], %add3A_16 {add = true} : memref<112xi32, #tpu.memory_space<vmem>>[vector<16xi32>], vector<16xi32>,
    %get3A_86 = arith.constant 560 : index
    %get3A_87 = tpu.vector_load %arg4[%get3A_86] {strides = array<i32>} : memref<1024xi32, #tpu.memory_space<vmem>>, vector<16xi32>,
    tpu.vector_store_idx %arg5[%get3A_87], %add3A_16 {add = true} : memref<112xi32, #tpu.memory_space<vmem>>[vector<16xi32>], vector<16xi32>,
    %get3A_88 = arith.constant 576 : index
    %get3A_89 = tpu.vector_load %arg4[%get3A_88] {strides = array<i32>} : memref<1024xi32, #tpu.memory_space<vmem>>, vector<16xi32>,
    tpu.vector_store_idx %arg5[%get3A_89], %add3A_16 {add = true} : memref<112xi32, #tpu.memory_space<vmem>>[vector<16xi32>], vector<16xi32>,
    %get3A_90 = arith.constant 592 : index
    %get3A_91 = tpu.vector_load %arg4[%get3A_90] {strides = array<i32>} : memref<1024xi32, #tpu.memory_space<vmem>>, vector<16xi32>,
    tpu.vector_store_idx %arg5[%get3A_91], %add3A_16 {add = true} : memref<112xi32, #tpu.memory_space<vmem>>[vector<16xi32>], vector<16xi32>,
    %get3A_92 = arith.constant 608 : index
    %get3A_93 = tpu.vector_load %arg4[%get3A_92] {strides = array<i32>} : memref<1024xi32, #tpu.memory_space<vmem>>, vector<16xi32>,
    tpu.vector_store_idx %arg5[%get3A_93], %add3A_16 {add = true} : memref<112xi32, #tpu.memory_space<vmem>>[vector<16xi32>], vector<16xi32>,
    %get3A_94 = arith.constant 624 : index
    %get3A_95 = tpu.vector_load %arg4[%get3A_94] {strides = array<i32>} : memref<1024xi32, #tpu.memory_space<vmem>>, vector<16xi32>,
    tpu.vector_store_idx %arg5[%get3A_95], %add3A_16 {add = true} : memref<112xi32, #tpu.memory_space<vmem>>[vector<16xi32>], vector<16xi32>,
    %get3A_96 = arith.constant 640 : index
    %get3A_97 = tpu.vector_load %arg4[%get3A_96] {strides = array<i32>} : memref<1024xi32, #tpu.memory_space<vmem>>, vector<16xi32>,
    tpu.vector_store_idx %arg5[%get3A_97], %add3A_16 {add = true} : memref<112xi32, #tpu.memory_space<vmem>>[vector<16xi32>], vector<16xi32>,
    %get3A_98 = arith.constant 656 : index
    %get3A_99 = tpu.vector_load %arg4[%get3A_98] {strides = array<i32>} : memref<1024xi32, #tpu.memory_space<vmem>>, vector<16xi32>,
    tpu.vector_store_idx %arg5[%get3A_99], %add3A_16 {add = true} : memref<112xi32, #tpu.memory_space<vmem>>[vector<16xi32>], vector<16xi32>,
    %get3A_100 = arith.constant 672 : index
    %get3A_101 = tpu.vector_load %arg4[%get3A_100] {strides = array<i32>} : memref<1024xi32, #tpu.memory_space<vmem>>, vector<16xi32>,
    tpu.vector_store_idx %arg5[%get3A_101], %add3A_16 {add = true} : memref<112xi32, #tpu.memory_space<vmem>>[vector<16xi32>], vector<16xi32>,
    %get3A_102 = arith.constant 688 : index
    %get3A_103 = tpu.vector_load %arg4[%get3A_102] {strides = array<i32>} : memref<1024xi32, #tpu.memory_space<vmem>>, vector<16xi32>,
    tpu.vector_store_idx %arg5[%get3A_103], %add3A_16 {add = true} : memref<112xi32, #tpu.memory_space<vmem>>[vector<16xi32>], vector<16xi32>,
    %get3A_104 = arith.constant 704 : index
    %get3A_105 = tpu.vector_load %arg4[%get3A_104] {strides = array<i32>} : memref<1024xi32, #tpu.memory_space<vmem>>, vector<16xi32>,
    tpu.vector_store_idx %arg5[%get3A_105], %add3A_16 {add = true} : memref<112xi32, #tpu.memory_space<vmem>>[vector<16xi32>], vector<16xi32>,
    %get3A_106 = arith.constant 720 : index
    %get3A_107 = tpu.vector_load %arg4[%get3A_106] {strides = array<i32>} : memref<1024xi32, #tpu.memory_space<vmem>>, vector<16xi32>,
    tpu.vector_store_idx %arg5[%get3A_107], %add3A_16 {add = true} : memref<112xi32, #tpu.memory_space<vmem>>[vector<16xi32>], vector<16xi32>,
    %get3A_108 = arith.constant 736 : index
    %get3A_109 = tpu.vector_load %arg4[%get3A_108] {strides = array<i32>} : memref<1024xi32, #tpu.memory_space<vmem>>, vector<16xi32>,
    tpu.vector_store_idx %arg5[%get3A_109], %add3A_16 {add = true} : memref<112xi32, #tpu.memory_space<vmem>>[vector<16xi32>], vector<16xi32>,
    %get3A_110 = arith.constant 752 : index
    %get3A_111 = tpu.vector_load %arg4[%get3A_110] {strides = array<i32>} : memref<1024xi32, #tpu.memory_space<vmem>>, vector<16xi32>,
    tpu.vector_store_idx %arg5[%get3A_111], %add3A_16 {add = true} : memref<112xi32, #tpu.memory_space<vmem>>[vector<16xi32>], vector<16xi32>,
    %get3A_112 = arith.constant 768 : index
    %get3A_113 = tpu.vector_load %arg4[%get3A_112] {strides = array<i32>} : memref<1024xi32, #tpu.memory_space<vmem>>, vector<16xi32>,
    tpu.vector_store_idx %arg5[%get3A_113], %add3A_16 {add = true} : memref<112xi32, #tpu.memory_space<vmem>>[vector<16xi32>], vector<16xi32>,
    %get3A_114 = arith.constant 784 : index
    %get3A_115 = tpu.vector_load %arg4[%get3A_114] {strides = array<i32>} : memref<1024xi32, #tpu.memory_space<vmem>>, vector<16xi32>,
    tpu.vector_store_idx %arg5[%get3A_115], %add3A_16 {add = true} : memref<112xi32, #tpu.memory_space<vmem>>[vector<16xi32>], vector<16xi32>,
    %get3A_116 = arith.constant 800 : index
    %get3A_117 = tpu.vector_load %arg4[%get3A_116] {strides = array<i32>} : memref<1024xi32, #tpu.memory_space<vmem>>, vector<16xi32>,
    tpu.vector_store_idx %arg5[%get3A_117], %add3A_16 {add = true} : memref<112xi32, #tpu.memory_space<vmem>>[vector<16xi32>], vector<16xi32>,
    %get3A_118 = arith.constant 816 : index
    %get3A_119 = tpu.vector_load %arg4[%get3A_118] {strides = array<i32>} : memref<1024xi32, #tpu.memory_space<vmem>>, vector<16xi32>,
    tpu.vector_store_idx %arg5[%get3A_119], %add3A_16 {add = true} : memref<112xi32, #tpu.memory_space<vmem>>[vector<16xi32>], vector<16xi32>,
    %get3A_120 = arith.constant 832 : index
    %get3A_121 = tpu.vector_load %arg4[%get3A_120] {strides = array<i32>} : memref<1024xi32, #tpu.memory_space<vmem>>, vector<16xi32>,
    tpu.vector_store_idx %arg5[%get3A_121], %add3A_16 {add = true} : memref<112xi32, #tpu.memory_space<vmem>>[vector<16xi32>], vector<16xi32>,
    %get3A_122 = arith.constant 848 : index
    %get3A_123 = tpu.vector_load %arg4[%get3A_122] {strides = array<i32>} : memref<1024xi32, #tpu.memory_space<vmem>>, vector<16xi32>,
    tpu.vector_store_idx %arg5[%get3A_123], %add3A_16 {add = true} : memref<112xi32, #tpu.memory_space<vmem>>[vector<16xi32>], vector<16xi32>,
    %get3A_124 = arith.constant 864 : index
    %get3A_125 = tpu.vector_load %arg4[%get3A_124] {strides = array<i32>} : memref<1024xi32, #tpu.memory_space<vmem>>, vector<16xi32>,
    tpu.vector_store_idx %arg5[%get3A_125], %add3A_16 {add = true} : memref<112xi32, #tpu.memory_space<vmem>>[vector<16xi32>], vector<16xi32>,
    %get3A_126 = arith.constant 880 : index
    %get3A_127 = tpu.vector_load %arg4[%get3A_126] {strides = array<i32>} : memref<1024xi32, #tpu.memory_space<vmem>>, vector<16xi32>,
    tpu.vector_store_idx %arg5[%get3A_127], %add3A_16 {add = true} : memref<112xi32, #tpu.memory_space<vmem>>[vector<16xi32>], vector<16xi32>,
    %get3A_128 = arith.constant 896 : index
    %get3A_129 = tpu.vector_load %arg4[%get3A_128] {strides = array<i32>} : memref<1024xi32, #tpu.memory_space<vmem>>, vector<16xi32>,
    tpu.vector_store_idx %arg5[%get3A_129], %add3A_16 {add = true} : memref<112xi32, #tpu.memory_space<vmem>>[vector<16xi32>], vector<16xi32>,
    %get3A_130 = arith.constant 912 : index
    %get3A_131 = tpu.vector_load %arg4[%get3A_130] {strides = array<i32>} : memref<1024xi32, #tpu.memory_space<vmem>>, vector<16xi32>,
    tpu.vector_store_idx %arg5[%get3A_131], %add3A_16 {add = true} : memref<112xi32, #tpu.memory_space<vmem>>[vector<16xi32>], vector<16xi32>,
    %get3A_132 = arith.constant 928 : index
    %get3A_133 = tpu.vector_load %arg4[%get3A_132] {strides = array<i32>} : memref<1024xi32, #tpu.memory_space<vmem>>, vector<16xi32>,
    tpu.vector_store_idx %arg5[%get3A_133], %add3A_16 {add = true} : memref<112xi32, #tpu.memory_space<vmem>>[vector<16xi32>], vector<16xi32>,
    %get3A_134 = arith.constant 944 : index
    %get3A_135 = tpu.vector_load %arg4[%get3A_134] {strides = array<i32>} : memref<1024xi32, #tpu.memory_space<vmem>>, vector<16xi32>,
    tpu.vector_store_idx %arg5[%get3A_135], %add3A_16 {add = true} : memref<112xi32, #tpu.memory_space<vmem>>[vector<16xi32>], vector<16xi32>,
    %get3A_136 = arith.constant 960 : index
    %get3A_137 = tpu.vector_load %arg4[%get3A_136] {strides = array<i32>} : memref<1024xi32, #tpu.memory_space<vmem>>, vector<16xi32>,
    tpu.vector_store_idx %arg5[%get3A_137], %add3A_16 {add = true} : memref<112xi32, #tpu.memory_space<vmem>>[vector<16xi32>], vector<16xi32>,
    %get3A_138 = arith.constant 976 : index
    %get3A_139 = tpu.vector_load %arg4[%get3A_138] {strides = array<i32>} : memref<1024xi32, #tpu.memory_space<vmem>>, vector<16xi32>,
    tpu.vector_store_idx %arg5[%get3A_139], %add3A_16 {add = true} : memref<112xi32, #tpu.memory_space<vmem>>[vector<16xi32>], vector<16xi32>,
    %get3A_140 = arith.constant 992 : index
    %get3A_141 = tpu.vector_load %arg4[%get3A_140] {strides = array<i32>} : memref<1024xi32, #tpu.memory_space<vmem>>, vector<16xi32>,
    tpu.vector_store_idx %arg5[%get3A_141], %add3A_16 {add = true} : memref<112xi32, #tpu.memory_space<vmem>>[vector<16xi32>], vector<16xi32>,
    %get3A_142 = arith.constant 1008 : index
    %get3A_143 = tpu.vector_load %arg4[%get3A_142] {strides = array<i32>} : memref<1024xi32, #tpu.memory_space<vmem>>, vector<16xi32>,
    tpu.vector_store_idx %arg5[%get3A_143], %add3A_16 {add = true} : memref<112xi32, #tpu.memory_space<vmem>>[vector<16xi32>], vector<16xi32>,
    "tpu.region"() ({
      %run_scoped3A = tpu.sem_alloc : memref<!tpu.dma_semaphore, #tpu.memory_space<semaphore_mem>>
      %dma_start3A = arith.constant 0 : i32
      %dma_start3A_144 = tpu.memref_slice %arg3[%arg1, %dma_start3A] : memref<16x112xi32, #tpu.memory_space<hbm>> -> memref<1x112xi32, #tpu.memory_space<hbm>>
      %dma_start3A_145 = tpu.memref_squeeze %dma_start3A_144 : memref<1x112xi32, #tpu.memory_space<hbm>> -> memref<112xi32, #tpu.memory_space<hbm>>
      %dma_start3A_146 = arith.constant 0 : i32
      %dma_start3A_147 = tpu.memref_slice %arg3[%arg1, %dma_start3A_146] : memref<16x112xi32, #tpu.memory_space<hbm>> -> memref<1x112xi32, #tpu.memory_space<hbm>>
      %dma_start3A_148 = tpu.memref_squeeze %dma_start3A_147 : memref<1x112xi32, #tpu.memory_space<hbm>> -> memref<112xi32, #tpu.memory_space<hbm>>
      tpu.enqueue_dma source(%arg5 : memref<112xi32, #tpu.memory_space<vmem>>) target(%dma_start3A_148 : memref<112xi32, #tpu.memory_space<hbm>>) target_semaphore(%run_scoped3A : memref<!tpu.dma_semaphore, #tpu.memory_space<semaphore_mem>>)
      %dma_wait3A = arith.constant 0 : i32
      %dma_wait3A_149 = tpu.memref_slice %arg3[%arg1, %dma_wait3A] : memref<16x112xi32, #tpu.memory_space<hbm>> -> memref<1x112xi32, #tpu.memory_space<hbm>>
      %dma_wait3A_150 = tpu.memref_squeeze %dma_wait3A_149 : memref<1x112xi32, #tpu.memory_space<hbm>> -> memref<112xi32, #tpu.memory_space<hbm>>
      %dma_wait3A_151 = arith.constant 0 : i32
      %dma_wait3A_152 = tpu.memref_slice %arg3[%arg1, %dma_wait3A_151] : memref<16x112xi32, #tpu.memory_space<hbm>> -> memref<1x112xi32, #tpu.memory_space<hbm>>
      %dma_wait3A_153 = tpu.memref_squeeze %dma_wait3A_152 : memref<1x112xi32, #tpu.memory_space<hbm>> -> memref<112xi32, #tpu.memory_space<hbm>>
      tpu.wait_dma2 semaphore(%run_scoped3A : memref<!tpu.dma_semaphore, #tpu.memory_space<semaphore_mem>>) src(%arg5 : memref<112xi32, #tpu.memory_space<vmem>>) dst(%dma_wait3A_153 : memref<112xi32, #tpu.memory_space<hbm>>)
      tpu.yield
    }) : () -> ()
    return
  }
}

module attributes {stable_mosaic.version = 14 : i64} {
  func.func @_reduce_body(%arg0: memref<16x112xi32, #tpu.memory_space<vmem>>, %arg1: memref<100x50xf32, #tpu.memory_space<vmem>>, %arg2: memref<1x1xf32, #tpu.memory_space<vmem>>) attributes {dimension_semantics = [], scalar_prefetch = 0 : i64, scratch_operands = 0 : i64, tpu.core_type = #tpu.core_type<tc>} {
    %get3A = arith.constant 0 : index
    %get3A_0 = arith.constant 0 : index
    %get3A_1 = vector.load %arg0[%get3A, %get3A_0] : memref<16x112xi32, #tpu.memory_space<vmem>>, vector<16x112xi32>
    %reduce_sum3A = arith.constant dense<0> : vector<112xi32>
    %reduce_sum3A_2 = vector.multi_reduction <add>, %get3A_1, %reduce_sum3A [0] : vector<16x112xi32> to vector<112xi32>
    %slice3A = vector.extract_strided_slice %reduce_sum3A_2 {offsets = [0], sizes = [100], strides = [1]} : vector<112xi32> to vector<100xi32>
    %convert_element_type3A = arith.sitofp %slice3A : vector<100xi32> to vector<100xf32>
    %get3A_3 = arith.constant 0 : index
    %get3A_4 = arith.constant 0 : index
    %get3A_5 = vector.load %arg1[%get3A_3, %get3A_4] : memref<100x50xf32, #tpu.memory_space<vmem>>, vector<100x50xf32>
    %mul3A = arith.mulf %get3A_5, %get3A_5 : vector<100x50xf32>
    %reduce_sum3A_6 = arith.constant dense<0.000000e+00> : vector<100xf32>
    %reduce_sum3A_7 = vector.multi_reduction <add>, %mul3A, %reduce_sum3A_6 [1] : vector<100x50xf32> to vector<100xf32>
    %sqrt3A = math.sqrt %reduce_sum3A_7 : vector<100xf32>
    %mul3A_8 = arith.mulf %convert_element_type3A, %sqrt3A : vector<100xf32>
    %reduce_sum3A_9 = vector.shape_cast %mul3A_8 : vector<100xf32> to vector<1x100xf32>
    %reduce_sum3A_10 = arith.constant dense<0.000000e+00> : vector<1xf32>
    %reduce_sum3A_11 = vector.multi_reduction <add>, %reduce_sum3A_9, %reduce_sum3A_10 [1] : vector<1x100xf32> to vector<1xf32>
    %reduce_sum3A_12 = vector.shape_cast %reduce_sum3A_11 : vector<1xf32> to vector<1x1xf32>
    %reduce_sum3A_13 = vector.extract %reduce_sum3A_12[0, 0] : f32 from vector<1x1xf32>
    %reshape3A = vector.broadcast %reduce_sum3A_13 : f32 to vector<1x1xf32>
    %mul3A_14 = arith.constant 6.10351563E-5 : f32
    %mul3A_15 = vector.broadcast %mul3A_14 : f32 to vector<1x1xf32>
    %mul3A_16 = arith.mulf %reshape3A, %mul3A_15 : vector<1x1xf32>
    %swap3A = arith.constant 0 : index
    %swap3A_17 = arith.constant 0 : index
    %swap3A_18 = vector.load %arg2[%swap3A, %swap3A_17] : memref<1x1xf32, #tpu.memory_space<vmem>>, vector<1x1xf32>
    tpu.vector_store %arg2[%swap3A, %swap3A_17], %mul3A_16 {strides = array<i32>} : memref<1x1xf32, #tpu.memory_space<vmem>>, vector<1x1xf32>,
    return
  }
}

</mosaic_0001>

<sc_bundles>
// kernel: kernel.4.cloned.1.call-start
scs
__scs_entry_jumppad:
0x0: {  	(pc) =	sbr.rel $0x88, $3  }
0x1: {  	(tag) =	ssettag $0x0;
	lr =	simm.s32 $0x1  }
0x2: {  	[smem:$0x3F9F] =	sst lr;
	_ =	strace $0xD0000000  }
0x3: {  	_ = 	snop  }
0x4: {  	_ = 	snop  }
0x5: {  	_ = 	snop  }
0x6: {  	_ = 	snop  }
0x7: {  	_ = 	snop  }
__scs_overlays_trampoline_lowered:
0x8: {  	[smem:$0x3FAE] =	sst s0  }
0x9: {  	[smem:$0x3FAF] =	sst s1  }
0xa: {  	[smem:$0x3FB0] =	sst s2  }
0xb: {  	[smem:$0x3FB1] =	sst s3  }
0xc: {  	[smem:$0x3FB2] =	sst s4  }
0xd: {  	[smem:$0x3FB3] =	sst s5  }
0xe: {  	[smem:$0x3FB4] =	sst s6  }
0xf: {  	[smem:$0x3FB5] =	sst s7  }
0x10: {  	[smem:$0x3FB6] =	sst s8  }
0x11: {  	[smem:$0x3FB7] =	sst s9;
	s0 =	simm.s32 @!p0 $0x0  }
0x12: {  	s1 =	sld [smem:$0x3F9D];
	s0 =	simm.s32 @p0 $0x1  }
0x13: {  	[smem:$0x3FB8] =	sst s0;
	s0 =	simm.s32 @!p1 $0x0  }
0x14: {  	s2 =	sld [smem:$0x3F9C];
	s0 =	simm.s32 @p1 $0x1  }
0x15: {  	[smem:$0x3FB9] =	sst s0;
	s0 =	simm.s32 @!p2 $0x0  }
0x16: {  	s3 =	sld [smem:$0x3FDB];
	s0 =	simm.s32 @p2 $0x1  }
0x17: {  	s4 =	simm.s32 $0x1BF5;
	[smem:$0x3FBB] =	sst s0  }
0x18: {  	s0 =	sld [smem:$0x3F9E];
	_ =	swait.ge [sflag:s4], $0x0  }
0x19: {  	s7 =	sld [smem:$0x3F9F]  }
0x1a: {  	s8 =	sadd.s32 $0xFFFFE003, lr  }
0x1b: {  	s9 =	sadd.s32 $0xFFFFFEF7, lr;
	s5 =	simm.s32 $0xFFFFFFFF;
	p2 =	slt.u32 s8, $0xFFFFF086  }
0x1c: {  	p1 =	slt.u32 s9, $0xF7A;
	s5 =	simm.s32 @!p2 $0x0  }
0x1d: {  	s5 =	simm.s32 @p1 $0x1;
	p0 =	seq.s32 s7, s2  }
0x1e: {  	s7 =	smul.u32 @!p0 $0xF7A, s2;
	p2 =	seq.s32 @!p0 s5, $0x0  }
0x1f: {  	s9 =	smul.u32 $0xF7A, s1;
	s8 =	simm.s32 @!p0 $0x1BF5;
	p2 =	por !p2, p0  }
0x20: {  	[sflag:s8] =	ssyncset.s32 @!p0 $0xFFFFF086;
	s6 =	sadd.s32 @!p0 s3, s7;
	s7 =	simm.s32 @!p0 $0x108  }
0x21: {  	s3 =	sadd.s32 s3, s9;
	s6 =	sadd.s32 @!p0 $0x88, s6;
	s7 =	simm.s32 @p2 $0x1082  }
0x22: {  	[simem:s7], [sflag:s8] =	dma.local @!p0 [hbm:s6], $0xF7A  }
0x23: {  	s9 =	sor.u32 $0xD0000000, s2;
	s6 =	simm.s32 $0x108;
	_ =	swait.ge @!p0 [sflag:s8], $0x0  }
0x24: {  	s3 =	sadd.s32 $0x88, s3;
	s6 =	simm.s32 @!p1 $0x1082;
	[sflag:s4] =	ssyncset.s32 $0xFFFFF086  }
0x25: {  	[simem:s6], [sflag:s4] =	dma.local [hbm:s3], $0xF7A  }
0x26: {  	[smem:$0x3F9F] =	sst s1;
	(tag) =	ssettag s2;
	_ =	strace s9  }
0x27: {  	s1 =	sld [smem:$0x3FAF]  }
0x28: {  	s2 =	sld [smem:$0x3FB0]  }
0x29: {  	s4 =	sld [smem:$0x3FB2]  }
0x2a: {  	p0 =	seq.s32 s5, $0x0;
	s5 =	sld [smem:$0x3FB3]  }
0x2b: {  	s6 =	sld [smem:$0x3FB4]  }
0x2c: {  	s7 =	sld [smem:$0x3FB5]  }
0x2d: {  	s3 =	simm.s32 $0x108;
	s8 =	sld [smem:$0x3FB6]  }
0x2e: {  	s3 =	simm.s32 @!p0 $0x1082;
	s9 =	sld [smem:$0x3FB7]  }
0x2f: {  	lr =	sadd.s32 s0, s3;
	s0 =	sld [smem:$0x3FAE]  }
0x30: {  	s3 =	sld [smem:$0x3FB1]  }
0x31: {  	[smem:$0x3FBA] =	sst s10  }
0x32: {  	s10 =	sld [smem:$0x3FB8];
	_ =	sdelay $0x3  }
0x33: {  	p0 =	seq.s32 s10, $0x1;
	s10 =	sld [smem:$0x3FBA];
	_ =	sdelay $0x3  }
0x34: {  	[smem:$0x3FBA] =	sst s10  }
0x35: {  	s10 =	sld [smem:$0x3FB9];
	_ =	sdelay $0x3  }
0x36: {  	p1 =	seq.s32 s10, $0x1;
	s10 =	sld [smem:$0x3FBA];
	_ =	sdelay $0x3  }
0x37: {  	[smem:$0x3FBA] =	sst s10  }
0x38: {  	s10 =	sld [smem:$0x3FBB]  }
0x39: {  	_ = 	snop;
	(pc) =	sbr.ind lr, $3  }
0x3a: {  	_ = 	snop  }
0x3b: {  	_ = 	snop  }
0x3c: {  	p2 =	seq.s32 s10, $0x1;
	s10 =	sld [smem:$0x3FBA]  }
0x3d: {  	_ =	shalt  }
0x3e: {  	_ =	shalt  }
0x3f: {  	_ =	shalt  }
0x40: {  	_ =	shalt  }
0x41: {  	_ =	shalt  }
0x42: {  	_ =	shalt  }
0x43: {  	_ =	shalt  }
0x44: {  	_ =	shalt  }
0x45: {  	_ =	shalt  }
0x46: {  	_ =	shalt  }
0x47: {  	_ =	shalt  }
0x48: {  	_ =	shalt  }
0x49: {  	_ =	shalt  }
0x4a: {  	_ =	shalt  }
0x4b: {  	_ =	shalt  }
0x4c: {  	_ =	shalt  }
0x4d: {  	_ =	shalt  }
0x4e: {  	_ =	shalt  }
0x4f: {  	_ =	shalt  }
0x50: {  	_ =	shalt  }
0x51: {  	_ =	shalt  }
0x52: {  	_ =	shalt  }
0x53: {  	_ =	shalt  }
0x54: {  	_ =	shalt  }
0x55: {  	_ =	shalt  }
0x56: {  	_ =	shalt  }
0x57: {  	_ =	shalt  }
0x58: {  	_ =	shalt  }
0x59: {  	_ =	shalt  }
0x5a: {  	_ =	shalt  }
0x5b: {  	_ =	shalt  }
0x5c: {  	_ =	shalt  }
0x5d: {  	_ =	shalt  }
0x5e: {  	_ =	shalt  }
0x5f: {  	_ =	shalt  }
0x60: {  	_ =	shalt  }
0x61: {  	_ =	shalt  }
0x62: {  	_ =	shalt  }
0x63: {  	_ =	shalt  }
0x64: {  	_ =	shalt  }
0x65: {  	_ =	shalt  }
0x66: {  	_ =	shalt  }
0x67: {  	_ =	shalt  }
0x68: {  	_ =	shalt  }
0x69: {  	_ =	shalt  }
0x6a: {  	_ =	shalt  }
0x6b: {  	_ =	shalt  }
0x6c: {  	_ =	shalt  }
0x6d: {  	_ =	shalt  }
0x6e: {  	_ =	shalt  }
0x6f: {  	_ =	shalt  }
0x70: {  	_ =	shalt  }
0x71: {  	_ =	shalt  }
0x72: {  	_ =	shalt  }
0x73: {  	_ =	shalt  }
0x74: {  	_ =	shalt  }
0x75: {  	_ =	shalt  }
0x76: {  	_ =	shalt  }
0x77: {  	_ =	shalt  }
0x78: {  	_ =	shalt  }
0x79: {  	_ =	shalt  }
0x7a: {  	_ =	shalt  }
0x7b: {  	_ =	shalt  }
0x7c: {  	_ =	shalt  }
0x7d: {  	_ =	shalt  }
0x7e: {  	_ =	shalt  }
0x7f: {  	_ =	shalt  }
0x80: {  	_ =	shalt  }
0x81: {  	_ =	shalt  }
0x82: {  	_ =	shalt  }
0x83: {  	_ =	shalt  }
0x84: {  	_ =	shalt  }
0x85: {  	_ =	shalt  }
0x86: {  	_ =	shalt  }
0x87: {  	_ =	shalt  }
.Lfunc_end0:
.L_simem_size_0:
called_computation_lowered:
.L_overlay_start_0:
0x88: {  	s0 =	sld [smem:$0x3FD9]  }
0x89: {  	s1 =	sld [smem:$0x3FFE];
	_ =	sdelay $0x3  }
0x8a: {  	s0 =	sadd.s32 s1, s0  }
0x8b: {  	[smem:$0x3FC6] =	sst s0  }
0x8c: {  	_ = 	snop  }
0x8d: {  	(tm) =	ssettm $0x1  }
0x8e: {  	s15 =	sld [smem:$0x3FFB];
	_ =	sdelay $0x3  }
0x8f: {  	_ =	strace s15  }
0x90: {  	s0 =	sld [smem:$0x3FFC];
	_ =	sdelay $0x3  }
0x91: {  	_ =	strace s0  }
0x92: {  	s0 =	sld [smem:$0x3FFD];
	_ =	sdelay $0x3  }
0x93: {  	_ =	strace s0  }
0x94: {  	_ =	strace $0x8FFFFFFF  }
0x95: {  	s16 =	sld [smem:$0x3FDB];
	_ =	sdelay $0x1  }
0x96: {  	s17 =	simm.s32 $_scs_section_size  }
0x97: {  	s2 =	simm.s32 $_size__tile_overlayer_lowered;
	s3 =	simm.s32 $_tile_overlayer_lowered  }
0x98: {  	s20 =	simm.s32 $0x1BFF;
	s19 =	sshll.u32 s3, $0x1;
	s0 =	sadd.s32 s17, s16  }
0x99: {  	s4 =	simm.s32 $0x0;
	s18 =	sshll.u32 s2, $0x1;
	s2 =	sadd.s32 s19, s0  }
0x9a: {  	[timem:s4], [sflag:s20] =	dma.local [hbm:s2], s18  }
0x9b: {  	_ =	swait.ge [sflag:s20], s18  }
0x9c: {  	s1 =	ssub.s32 $0x0, s18;
	[sflag:s20] =	ssyncset.done $0x0  }
0x9d: {  	[sflag:s20] =	ssyncadd.s32 s1;
	_ =	sdelay $0x1  }
0x9e: {  	s21 =	simm.s32 $0x1B8B  }
0x9f: {  	_ =	swait.ge [sflag:s21], $0x1  }
0xa0: {  	[sflag:s21] =	ssyncset.done $0x0  }
0xa1: {  	s23 =	simm.s32 $0x1B8E;
	s22 =	sld [smem:$0x3FFE];
	[sflag:s21] =	ssyncadd.s32 $0xFFFFFFFF  }
0xa2: {  	s24 =	simm.s32 $execute0_lowered;
	[smem:$0x3FD2] =	sst s23  }
0xa3: {  	s2 =	sshll.u32 s24, $0x1;
	_ =	strace $0x80000046;
	[dreg:$0x1] =	wrdreg $0xFFFFFFFF  }
0xa4: {  	s25 =	simm.s32 $_size_execute0_lowered;
	s0 =	sadd.s32 s0, s2;
	[dreg:$0x0] =	wrdreg $0x0  }
0xa5: {  	s2 =	sshll.u32 s25, $0x1;
	[dreg:$0x2] =	wrdreg s0  }
0xa6: {  	[dreg:$0x3] =	wrdreg s2  }
0xa7: {  	[dreg:$0x4] =	wrdreg $0xC0  }
0xa8: {  	_ =	task [dreg:s4], $0x5FFFF  }
0xa9: {  	[dreg:$0x1] =	wrdreg $0xFFFFFFFF  }
0xaa: {  	[dreg:$0x0] =	wrdreg $0x60  }
0xab: {  	[dreg:$0x2] =	wrdreg s22  }
0xac: {  	[dreg:$0x3] =	wrdreg $0x9  }
0xad: {  	_ =	task.clear_ibuf [dreg:s4], $0x4FFFF;
	_ =	strace $0x90000046  }
0xae: {  	s26 =	simm.s32 $0x9;
	_ =	strace $0x80000048  }
0xaf: {  	_ =	swait.ge [sflag:s26], $0x1  }
0xb0: {  	[sflag:s26] =	ssyncadd.s32 $0xFFFFFFFF  }
0xb1: {  	_ =	strace $0x90000048  }
0xb2: {  	_ =	sfence  }
0xb3: {  	s28 =	sld [smem:$0x0];
	_ =	sdelay $0x1  }
0xb4: {  	s29 =	srdreg.scid  }
0xb5: {  	s30 =	sshll.u32 s29, $0xD;
	s31 =	sshrl.u32 s29, $0x2  }
0xb6: {  	s1 =	sand.u32 $0x1, s29;
	s2 =	sand.u32 $0x4000, s30;
	s0 =	sadd.s32 s31, s28  }
0xb7: {  	s1 =	sor.u32 s2, s1;
	s0 =	sshll.u32 s0, $0x11  }
0xb8: {  	s0 =	sor.u32 s0, s1  }
0xb9: {  	s0 =	sadd.s32 $0x8F2B, s0  }
0xba: {  	[sflag:s0] =	ssyncadd.remote.s32 $0x1  }
0xbb: {  	_ =	sfence.sel $0xFFFF  }
0xbc: {  	[dreg:$0x0] =	wrdreg $0xFFFFFFFF;
	(pc) =	sbr.abs _section_cstart, $3  }
0xbd: {  	[dreg:$0x1] =	wrdreg $0xFFFFFFFF  }
0xbe: {  	_ =	task.clear_ibuf [dreg:s4], $0x2FFFF;
	_ =	strace $0x9FFFFFFF  }
0xbf: {  	(tm) =	ssettm $0x7FFFFFFF  }
tec
execute0_lowered:
.L_overlay_start_1:
0x0: {  	(tag) =	ssettag $0x1  }
0x1: {  	s2 =	rddreg [dreg:$0x0];
	s1 =	stileid.u32  }
0x2: {  	s0 =	rddreg [dreg:$0x1];
	s3 =	simm.s32 $0x0;
	s4 =	sshll.u32 s1, $0x7  }
0x3: {  	[smem:$0x7FF] =	sst s3;
	s4 =	sadd.s32 s4, s2  }
0x4: {  	s31 =	simm.s32 $0x1;
	_ =	strace $0x80000047;
	s4 =	sadd.s32 $0x800, s4  }
0x5: {  	[tilespmem:s3], [sflag:$0x1] =	stream.linear.gather [hbm4b:s4+s3], $0x400, $0x38;
	[tilespmem:$0x480] =	vst v63  }
0x6: {  	_ =	swait.ge [sflag:s31], $0x400  }
0x7: {  	[sflag:s31] =	ssyncset.done $0x0  }
0x8: {  	[sflag:s31] =	ssyncadd.s32 $0xFFFFFC00  }
0x9: {  	v0 =	vimm.s32 $0x0;
	v1 =	vld [tilespmem:$0x0]  }
0xa: {  	[tilespmem:$0x400] =	vst v0  }
0xb: {  	[tilespmem:$0x410] =	vst v0  }
0xc: {  	[tilespmem:$0x420] =	vst v0  }
0xd: {  	[tilespmem:$0x430] =	vst v0  }
0xe: {  	[tilespmem:$0x440] =	vst v0  }
0xf: {  	[tilespmem:$0x450] =	vst v0  }
0x10: {  	v63 =	vimm.s32 $0x1;
	s5 =	simm.s32 $0x400;
	[tilespmem:$0x460] =	vst v0  }
0x11: {  	[tilespmem:v1+s5+$0x0] =	vst.idx.add.s32.msk $0xffff, v63  }
0x12: {  	v1 =	vld [tilespmem:$0x10];
	_ =	sdelay $0x7  }
0x13: {  	[tilespmem:v1+s5+$0x0] =	vst.idx.add.s32.msk $0xffff, v63  }
0x14: {  	v1 =	vld [tilespmem:$0x20];
	_ =	sdelay $0x7  }
0x15: {  	[tilespmem:v1+s5+$0x0] =	vst.idx.add.s32.msk $0xffff, v63  }
0x16: {  	v1 =	vld [tilespmem:$0x30];
	_ =	sdelay $0x7  }
0x17: {  	[tilespmem:v1+s5+$0x0] =	vst.idx.add.s32.msk $0xffff, v63  }
0x18: {  	v1 =	vld [tilespmem:$0x40];
	_ =	sdelay $0x7  }
0x19: {  	[tilespmem:v1+s5+$0x0] =	vst.idx.add.s32.msk $0xffff, v63  }
0x1a: {  	v1 =	vld [tilespmem:$0x50];
	_ =	sdelay $0x7  }
0x1b: {  	[tilespmem:v1+s5+$0x0] =	vst.idx.add.s32.msk $0xffff, v63  }
0x1c: {  	v1 =	vld [tilespmem:$0x60];
	_ =	sdelay $0x7  }
0x1d: {  	[tilespmem:v1+s5+$0x0] =	vst.idx.add.s32.msk $0xffff, v63  }
0x1e: {  	v1 =	vld [tilespmem:$0x70];
	_ =	sdelay $0x7  }
0x1f: {  	[tilespmem:v1+s5+$0x0] =	vst.idx.add.s32.msk $0xffff, v63  }
0x20: {  	v1 =	vld [tilespmem:$0x80];
	_ =	sdelay $0x7  }
0x21: {  	[tilespmem:v1+s5+$0x0] =	vst.idx.add.s32.msk $0xffff, v63  }
0x22: {  	v1 =	vld [tilespmem:$0x90];
	_ =	sdelay $0x7  }
0x23: {  	[tilespmem:v1+s5+$0x0] =	vst.idx.add.s32.msk $0xffff, v63  }
0x24: {  	v1 =	vld [tilespmem:$0xA0];
	_ =	sdelay $0x7  }
0x25: {  	[tilespmem:v1+s5+$0x0] =	vst.idx.add.s32.msk $0xffff, v63  }
0x26: {  	v1 =	vld [tilespmem:$0xB0];
	_ =	sdelay $0x7  }
0x27: {  	[tilespmem:v1+s5+$0x0] =	vst.idx.add.s32.msk $0xffff, v63  }
0x28: {  	v1 =	vld [tilespmem:$0xC0];
	_ =	sdelay $0x7  }
0x29: {  	[tilespmem:v1+s5+$0x0] =	vst.idx.add.s32.msk $0xffff, v63  }
0x2a: {  	v1 =	vld [tilespmem:$0xD0];
	_ =	sdelay $0x7  }
0x2b: {  	[tilespmem:v1+s5+$0x0] =	vst.idx.add.s32.msk $0xffff, v63  }
0x2c: {  	v1 =	vld [tilespmem:$0xE0];
	_ =	sdelay $0x7  }
0x2d: {  	[tilespmem:v1+s5+$0x0] =	vst.idx.add.s32.msk $0xffff, v63  }
0x2e: {  	v1 =	vld [tilespmem:$0xF0];
	_ =	sdelay $0x7  }
0x2f: {  	[tilespmem:v1+s5+$0x0] =	vst.idx.add.s32.msk $0xffff, v63  }
0x30: {  	v1 =	vld [tilespmem:$0x100];
	_ =	sdelay $0x7  }
0x31: {  	[tilespmem:v1+s5+$0x0] =	vst.idx.add.s32.msk $0xffff, v63  }
0x32: {  	v1 =	vld [tilespmem:$0x110];
	_ =	sdelay $0x7  }
0x33: {  	[tilespmem:v1+s5+$0x0] =	vst.idx.add.s32.msk $0xffff, v63  }
0x34: {  	v1 =	vld [tilespmem:$0x120];
	_ =	sdelay $0x7  }
0x35: {  	[tilespmem:v1+s5+$0x0] =	vst.idx.add.s32.msk $0xffff, v63  }
0x36: {  	v1 =	vld [tilespmem:$0x130];
	_ =	sdelay $0x7  }
0x37: {  	[tilespmem:v1+s5+$0x0] =	vst.idx.add.s32.msk $0xffff, v63  }
0x38: {  	v1 =	vld [tilespmem:$0x140];
	_ =	sdelay $0x7  }
0x39: {  	[tilespmem:v1+s5+$0x0] =	vst.idx.add.s32.msk $0xffff, v63  }
0x3a: {  	v1 =	vld [tilespmem:$0x150];
	_ =	sdelay $0x7  }
0x3b: {  	[tilespmem:v1+s5+$0x0] =	vst.idx.add.s32.msk $0xffff, v63  }
0x3c: {  	v1 =	vld [tilespmem:$0x160];
	_ =	sdelay $0x7  }
0x3d: {  	[tilespmem:v1+s5+$0x0] =	vst.idx.add.s32.msk $0xffff, v63  }
0x3e: {  	v1 =	vld [tilespmem:$0x170];
	_ =	sdelay $0x7  }
0x3f: {  	[tilespmem:v1+s5+$0x0] =	vst.idx.add.s32.msk $0xffff, v63  }
0x40: {  	v1 =	vld [tilespmem:$0x180];
	_ =	sdelay $0x7  }
0x41: {  	[tilespmem:v1+s5+$0x0] =	vst.idx.add.s32.msk $0xffff, v63  }
0x42: {  	v1 =	vld [tilespmem:$0x190];
	_ =	sdelay $0x7  }
0x43: {  	[tilespmem:v1+s5+$0x0] =	vst.idx.add.s32.msk $0xffff, v63  }
0x44: {  	v1 =	vld [tilespmem:$0x1A0];
	_ =	sdelay $0x7  }
0x45: {  	[tilespmem:v1+s5+$0x0] =	vst.idx.add.s32.msk $0xffff, v63  }
0x46: {  	v1 =	vld [tilespmem:$0x1B0];
	_ =	sdelay $0x7  }
0x47: {  	[tilespmem:v1+s5+$0x0] =	vst.idx.add.s32.msk $0xffff, v63  }
0x48: {  	v1 =	vld [tilespmem:$0x1C0];
	_ =	sdelay $0x7  }
0x49: {  	[tilespmem:v1+s5+$0x0] =	vst.idx.add.s32.msk $0xffff, v63  }
0x4a: {  	v1 =	vld [tilespmem:$0x1D0];
	_ =	sdelay $0x7  }
0x4b: {  	[tilespmem:v1+s5+$0x0] =	vst.idx.add.s32.msk $0xffff, v63  }
0x4c: {  	v1 =	vld [tilespmem:$0x1E0];
	_ =	sdelay $0x7  }
0x4d: {  	[tilespmem:v1+s5+$0x0] =	vst.idx.add.s32.msk $0xffff, v63  }
0x4e: {  	v1 =	vld [tilespmem:$0x1F0];
	_ =	sdelay $0x7  }
0x4f: {  	[tilespmem:v1+s5+$0x0] =	vst.idx.add.s32.msk $0xffff, v63  }
0x50: {  	v1 =	vld [tilespmem:$0x200];
	_ =	sdelay $0x7  }
0x51: {  	[tilespmem:v1+s5+$0x0] =	vst.idx.add.s32.msk $0xffff, v63  }
0x52: {  	v1 =	vld [tilespmem:$0x210];
	_ =	sdelay $0x7  }
0x53: {  	[tilespmem:v1+s5+$0x0] =	vst.idx.add.s32.msk $0xffff, v63  }
0x54: {  	v1 =	vld [tilespmem:$0x220];
	_ =	sdelay $0x7  }
0x55: {  	[tilespmem:v1+s5+$0x0] =	vst.idx.add.s32.msk $0xffff, v63  }
0x56: {  	v1 =	vld [tilespmem:$0x230];
	_ =	sdelay $0x7  }
0x57: {  	[tilespmem:v1+s5+$0x0] =	vst.idx.add.s32.msk $0xffff, v63  }
0x58: {  	v1 =	vld [tilespmem:$0x240];
	_ =	sdelay $0x7  }
0x59: {  	[tilespmem:v1+s5+$0x0] =	vst.idx.add.s32.msk $0xffff, v63  }
0x5a: {  	v1 =	vld [tilespmem:$0x250];
	_ =	sdelay $0x7  }
0x5b: {  	[tilespmem:v1+s5+$0x0] =	vst.idx.add.s32.msk $0xffff, v63  }
0x5c: {  	v1 =	vld [tilespmem:$0x260];
	_ =	sdelay $0x7  }
0x5d: {  	[tilespmem:v1+s5+$0x0] =	vst.idx.add.s32.msk $0xffff, v63  }
0x5e: {  	v1 =	vld [tilespmem:$0x270];
	_ =	sdelay $0x7  }
0x5f: {  	[tilespmem:v1+s5+$0x0] =	vst.idx.add.s32.msk $0xffff, v63  }
0x60: {  	v1 =	vld [tilespmem:$0x280];
	_ =	sdelay $0x7  }
0x61: {  	[tilespmem:v1+s5+$0x0] =	vst.idx.add.s32.msk $0xffff, v63  }
0x62: {  	v1 =	vld [tilespmem:$0x290];
	_ =	sdelay $0x7  }
0x63: {  	[tilespmem:v1+s5+$0x0] =	vst.idx.add.s32.msk $0xffff, v63  }
0x64: {  	v1 =	vld [tilespmem:$0x2A0];
	_ =	sdelay $0x7  }
0x65: {  	[tilespmem:v1+s5+$0x0] =	vst.idx.add.s32.msk $0xffff, v63  }
0x66: {  	v1 =	vld [tilespmem:$0x2B0];
	_ =	sdelay $0x7  }
0x67: {  	[tilespmem:v1+s5+$0x0] =	vst.idx.add.s32.msk $0xffff, v63  }
0x68: {  	v1 =	vld [tilespmem:$0x2C0];
	_ =	sdelay $0x7  }
0x69: {  	[tilespmem:v1+s5+$0x0] =	vst.idx.add.s32.msk $0xffff, v63  }
0x6a: {  	v1 =	vld [tilespmem:$0x2D0];
	_ =	sdelay $0x7  }
0x6b: {  	[tilespmem:v1+s5+$0x0] =	vst.idx.add.s32.msk $0xffff, v63  }
0x6c: {  	v1 =	vld [tilespmem:$0x2E0];
	_ =	sdelay $0x7  }
0x6d: {  	[tilespmem:v1+s5+$0x0] =	vst.idx.add.s32.msk $0xffff, v63  }
0x6e: {  	v1 =	vld [tilespmem:$0x2F0];
	_ =	sdelay $0x7  }
0x6f: {  	[tilespmem:v1+s5+$0x0] =	vst.idx.add.s32.msk $0xffff, v63  }
0x70: {  	v1 =	vld [tilespmem:$0x300];
	_ =	sdelay $0x7  }
0x71: {  	[tilespmem:v1+s5+$0x0] =	vst.idx.add.s32.msk $0xffff, v63  }
0x72: {  	v1 =	vld [tilespmem:$0x310];
	_ =	sdelay $0x7  }
0x73: {  	[tilespmem:v1+s5+$0x0] =	vst.idx.add.s32.msk $0xffff, v63  }
0x74: {  	v1 =	vld [tilespmem:$0x320];
	_ =	sdelay $0x7  }
0x75: {  	[tilespmem:v1+s5+$0x0] =	vst.idx.add.s32.msk $0xffff, v63  }
0x76: {  	v1 =	vld [tilespmem:$0x330];
	_ =	sdelay $0x7  }
0x77: {  	[tilespmem:v1+s5+$0x0] =	vst.idx.add.s32.msk $0xffff, v63  }
0x78: {  	v1 =	vld [tilespmem:$0x340];
	_ =	sdelay $0x7  }
0x79: {  	[tilespmem:v1+s5+$0x0] =	vst.idx.add.s32.msk $0xffff, v63  }
0x7a: {  	v1 =	vld [tilespmem:$0x350];
	_ =	sdelay $0x7  }
0x7b: {  	[tilespmem:v1+s5+$0x0] =	vst.idx.add.s32.msk $0xffff, v63  }
0x7c: {  	v1 =	vld [tilespmem:$0x360];
	_ =	sdelay $0x7  }
0x7d: {  	[tilespmem:v1+s5+$0x0] =	vst.idx.add.s32.msk $0xffff, v63  }
0x7e: {  	v1 =	vld [tilespmem:$0x370];
	_ =	sdelay $0x7  }
0x7f: {  	[tilespmem:v1+s5+$0x0] =	vst.idx.add.s32.msk $0xffff, v63  }
0x80: {  	v1 =	vld [tilespmem:$0x380];
	_ =	sdelay $0x7  }
0x81: {  	[tilespmem:v1+s5+$0x0] =	vst.idx.add.s32.msk $0xffff, v63  }
0x82: {  	v1 =	vld [tilespmem:$0x390];
	_ =	sdelay $0x7  }
0x83: {  	[tilespmem:v1+s5+$0x0] =	vst.idx.add.s32.msk $0xffff, v63  }
0x84: {  	v1 =	vld [tilespmem:$0x3A0];
	_ =	sdelay $0x7  }
0x85: {  	[tilespmem:v1+s5+$0x0] =	vst.idx.add.s32.msk $0xffff, v63  }
0x86: {  	v1 =	vld [tilespmem:$0x3B0];
	_ =	sdelay $0x7  }
0x87: {  	[tilespmem:v1+s5+$0x0] =	vst.idx.add.s32.msk $0xffff, v63  }
0x88: {  	v1 =	vld [tilespmem:$0x3C0];
	_ =	sdelay $0x7  }
0x89: {  	[tilespmem:v1+s5+$0x0] =	vst.idx.add.s32.msk $0xffff, v63  }
0x8a: {  	v1 =	vld [tilespmem:$0x3D0];
	_ =	sdelay $0x7  }
0x8b: {  	[tilespmem:v1+s5+$0x0] =	vst.idx.add.s32.msk $0xffff, v63  }
0x8c: {  	v1 =	vld [tilespmem:$0x3E0];
	_ =	sdelay $0x7  }
0x8d: {  	[tilespmem:v1+s5+$0x0] =	vst.idx.add.s32.msk $0xffff, v63  }
0x8e: {  	v1 =	vld [tilespmem:$0x3F0];
	_ =	sdelay $0x5  }
0x8f: {  	s6 =	sshll.u32 s1, $0x4  }
0x90: {  	s2 =	sadd.s32 s6, s2  }
0x91: {  	s2 =	sadd.s32 $0x1000, s2;
	[tilespmem:v1+s5+$0x0] =	vst.idx.add.s32.msk $0xffff, v63  }
0x92: {  	[hbm4b:s2+s3] =	stream.linear.scatter [tilespmem:s5], [sflag:$0x1], $0x80, $0x38;
	[tilespmem:$0x480] =	vst v63  }
0x93: {  	_ =	swait.ge [sflag:s31], $0x80  }
0x94: {  	[sflag:s31] =	ssyncset.done $0x0  }
0x95: {  	[sflag:s31] =	ssyncadd.s32 $0xFFFFFF80  }
0x96: {  	_ =	sfence.sel $0x180000  }
0x97: {  	[bflag:$0x0] =	sbarrier.arrive $0xFFFF  }
0x98: {  	p0 =	sne.s32 s1, $0x0;
	_ =	strace $0x90000047  }
0x99: {  	s0 =	sadd.s32 @!p0 $0x100000, s0;
	[bflag:$0x2] =	sbarrier.arrive $0xFFFF  }
0x9a: {  	[sflag:s0] =	ssyncadd.tile.s32 @!p0 $0x1;
	_ =	shalt  }
.Lfunc_end2:
_tile_overlayer_lowered:
.L_overlay_start_2:
0x9b: {  	(tag) =	ssettag $0x2  }
0x9c: {  	s0 =	rddreg [dreg:$0x0];
	s2 =	stileid.u32  }
0x9d: {  	s1 =	rddreg [dreg:$0x1];
	p0 =	sne.s32 s2, $0x0  }
0x9e: {  	s3 =	rddreg [dreg:$0x2];
	[bflag:$0x3] =	sbarrier.arrive $0xFFFF;
	s2 =	simm.s32 @!p0 $0x1C01  }
0x9f: {  	[timem:s3], [sflag:s2] =	dma.local @!p0 [hbm:s0], s1  }
0xa0: {  	s0 =	simm.s32 @!p0 $0x1  }
0xa1: {  	_ =	swait.ge @!p0 [sflag:s0], s1  }
0xa2: {  	s1 =	ssub.s32 @!p0 $0x0, s1;
	[sflag:s0] =	ssyncset.done @!p0 $0x0  }
0xa3: {  	[sflag:s0] =	ssyncadd.s32 @!p0 s1  }
0xa4: {  	[bflag:$0x3] =	sbarrier.arrive $0xFFFF  }
0xa5: {  	_ =	shalt  }

</sc_bundles>
